<compile_context>
chip_gen: v7x
topology: tpu7x:2x2x1
jax: 0.10.2.dev20260603
libtpu: 0.0.44.dev20260713+nightly
codegen_flags: <defaults>
</compile_context>

<pallas_src>
import functools

import jax
import jax.numpy as jnp
from jax import lax
from jax.experimental import pallas as pl
from jax.experimental.pallas import tpu as pltpu
from jax.experimental.pallas import tpu_sc as plsc

B, F, V, D, NCF = 16384, 26, 100000, 32, 13
H0, H1 = 512, 256

NW = 32
FP = 28
ROWS_PER_W = B * FP // NW
CHUNK = 112
GROUP = 8
N_CHUNK = ROWS_PER_W // CHUNK
N_GROUP = N_CHUNK // GROUP
TB = 1024
NCP = 128


def _gather_body(table_hbm, idx_hbm, out_hbm, idx_v, buf, sem):
    nc = 2
    wid = lax.axis_index("s") * nc + lax.axis_index("c")
    pltpu.sync_copy(idx_hbm.at[wid], idx_v)
    out_base = wid * ROWS_PER_W

    def group(g, carry):
        handles = []
        for j in range(GROUP):
            c = g * GROUP + j
            handles.append(pltpu.async_copy(
                table_hbm.at[idx_v.at[c]],
                buf.at[pl.ds(j * CHUNK, CHUNK)],
                sem))
        for h in handles:
            h.wait()
        pltpu.sync_copy(
            buf, out_hbm.at[pl.ds(out_base + g * (GROUP * CHUNK), GROUP * CHUNK)])
        return carry

    lax.fori_loop(0, N_GROUP, group, 0)


def _sc_gather(table_flat, idx3):
    mesh = plsc.VectorSubcoreMesh(core_axis_name="c", subcore_axis_name="s")
    fn = functools.partial(
        pl.kernel,
        mesh=mesh,
        out_type=jax.ShapeDtypeStruct((B * FP, D), jnp.float32),
        scratch_types=[
            pltpu.VMEM((N_CHUNK, CHUNK), jnp.int32),
            pltpu.VMEM((GROUP * CHUNK, D), jnp.float32),
            pltpu.SemaphoreType.DMA,
        ],
        compiler_params=pltpu.CompilerParams(use_tc_tiling_on_sc=False),
    )(_gather_body)
    return fn(table_flat, idx3)


def _mlp_body(xc_ref, bnw_ref, bnb_ref, emb_ref, w0e_ref, w0c_ref, b0_ref,
              w1_ref, b1_ref, out_ref, so_ref):
    i = pl.program_id(0)

    @pl.when(i == 0)
    def _():
        xc = xc_ref[...]
        mean = jnp.mean(xc, axis=0)
        var = jnp.mean(xc * xc, axis=0) - mean * mean
        s = bnw_ref[0, :] * lax.rsqrt(var + 1e-5)
        so_ref[0, :] = s
        so_ref[1, :] = bnb_ref[0, :] - mean * s

    s = so_ref[0, :]
    o = so_ref[1, :]
    xcn = xc_ref[pl.ds(i * TB, TB), :] * s[None, :] + o[None, :]
    xe = emb_ref[...].astype(jnp.bfloat16)
    h = lax.dot_general(xe, w0e_ref[...], (((1,), (1,)), ((), ())),
                        preferred_element_type=jnp.float32)
    h = h + lax.dot_general(xcn, w0c_ref[...], (((1,), (1,)), ((), ())),
                            preferred_element_type=jnp.float32)
    h = jnp.maximum(h + b0_ref[0, :][None, :], 0.0).astype(jnp.bfloat16)
    y = lax.dot_general(h, w1_ref[...], (((1,), (1,)), ((), ())),
                        preferred_element_type=jnp.float32)
    out_ref[...] = jnp.maximum(y + b1_ref[0, :][None, :], 0.0)


def _mlp(xc, bnw, bnb, emb2, w0e, w0c, b0r, w1b, b1r):
    return pl.pallas_call(
        _mlp_body,
        grid=(B // TB,),
        in_specs=[
            pl.BlockSpec((B, NCP), lambda i: (0, 0)),
            pl.BlockSpec((1, NCP), lambda i: (0, 0)),
            pl.BlockSpec((1, NCP), lambda i: (0, 0)),
            pl.BlockSpec((TB, FP * D), lambda i: (i, 0)),
            pl.BlockSpec((H0, FP * D), lambda i: (0, 0)),
            pl.BlockSpec((H0, NCP), lambda i: (0, 0)),
            pl.BlockSpec((1, H0), lambda i: (0, 0)),
            pl.BlockSpec((H1, H0), lambda i: (0, 0)),
            pl.BlockSpec((1, H1), lambda i: (0, 0)),
        ],
        out_specs=pl.BlockSpec((TB, H1), lambda i: (i, 0)),
        out_shape=jax.ShapeDtypeStruct((B, H1), jnp.float32),
        scratch_shapes=[pltpu.VMEM((2, NCP), jnp.float32)],
    )(xc, bnw, bnb, emb2, w0e, w0c, b0r, w1b, b1r)


def kernel(x_cat, x_cont, emb_tables, W0, b0, W1, b1, bn_w, bn_b):
    table_flat = emb_tables.reshape(F * V, D)
    gidx = x_cat + (jnp.arange(F, dtype=x_cat.dtype) * V)[None, :]
    gpad = jnp.concatenate([gidx, gidx[:, F - 2:]], axis=1)
    idx3 = gpad.reshape(NW, N_CHUNK, CHUNK)
    emb = _sc_gather(table_flat, idx3)
    emb2 = emb.reshape(B, FP * D)
    w0e = jnp.pad(W0[:, :F * D].astype(jnp.bfloat16),
                  ((0, 0), (0, (FP - F) * D)))
    pad = NCP - NCF
    xcp = jnp.pad(x_cont, ((0, 0), (0, pad)))
    w0cp = jnp.pad(W0[:, F * D:], ((0, 0), (0, pad)))
    bnwp = jnp.pad(bn_w, (0, pad)).reshape(1, NCP)
    bnbp = jnp.pad(bn_b, (0, pad)).reshape(1, NCP)
    w1b = W1.astype(jnp.bfloat16)
    return _mlp(xcp, bnwp, bnbp, emb2,
                w0e, w0cp, b0.reshape(1, -1), w1b, b1.reshape(1, -1))

# --- scband reference (transcript-rebuilt; emitter-appended) ---
"""Pipeline reference for scband-embedding-model-32650341384599 (READ-ONLY COPY).

The authoritative reference and input builder live on the scoring server;
editing this copy changes nothing except your own understanding.
"""

import jax, jax.numpy as jnp
import numpy as np

B, F_, V, D, NC = 16384, 26, 100000, 32, 13
H0, H1 = 512, 256

def setup_inputs(seed: int = 0) -> dict:
    key = jax.random.key(seed)
    ks = jax.random.split(key, 8)
    x_cat = jax.random.randint(ks[0], (B, F_), 0, V)
    x_cont = jax.random.normal(ks[1], (B, NC), dtype=jnp.float32)
    sc = 2.0 / (D + 1)
    emb_tables = jax.random.uniform(ks[2], (F_, V, D), minval=-sc, maxval=sc, dtype=jnp.float32)
    n_in = F_ * D + NC
    W0 = jax.random.normal(ks[3], (H0, n_in), dtype=jnp.float32) * np.sqrt(2.0 / n_in)
    b0 = jnp.zeros((H0,), jnp.float32)
    W1 = jax.random.normal(ks[4], (H1, H0), dtype=jnp.float32) * np.sqrt(2.0 / H0)
    b1 = jnp.zeros((H1,), jnp.float32)
    bn_w = jnp.ones((NC,), jnp.float32)
    bn_b = jnp.zeros((NC,), jnp.float32)
    return {"x_cat": x_cat, "x_cont": x_cont, "emb_tables": emb_tables,
            "W0": W0, "b0": b0, "W1": W1, "b1": b1, "bn_w": bn_w, "bn_b": bn_b}

def reference(x_cat, x_cont, emb_tables, W0, b0, W1, b1, bn_w, bn_b):
    # per-field embedding lookup: emb_tables[i][x_cat[:, i]]
    emb = jax.vmap(lambda t, idx: jnp.take(t, idx, axis=0), in_axes=(0, 1), out_axes=1)(emb_tables, x_cat)
    x = emb.reshape(emb.shape[0], -1)  # [B, F_*D]
    # emb_drop p=0.0 -> identity
    # BatchNorm1d on continuous features (training mode: batch stats, biased var, eps=1e-5)
    mean = jnp.mean(x_cont, axis=0)
    var = jnp.var(x_cont, axis=0)
    x2 = (x_cont - mean) / jnp.sqrt(var + 1e-5) * bn_w + bn_b
    x = jnp.concatenate([x, x2], axis=1)
    # MLP (use_bn=False, drops=0.0 -> identity)
    x = jax.nn.relu(x @ W0.T + b0)
    x = jax.nn.relu(x @ W1.T + b1)
    return x

if __name__ == "__main__":
    import jax
    _d = setup_inputs()
    print(jax.jit(kernel)(*tuple(_d.values())))

</pallas_src>

<mosaic_0001>
#map = affine_map<(d0, d1) -> (0, 0)>
#map1 = affine_map<(d0, d1) -> (0, 0, 0)>
module attributes {stable_mosaic.version = 14 : i64} {
  func.func @_gather_body(%arg0: i32, %arg1: i32, %arg2: memref<2600000x32xf32, #tpu.memory_space<hbm>>, %arg3: memref<32x128x112xi32, #tpu.memory_space<hbm>>, %arg4: memref<458752x32xf32, #tpu.memory_space<hbm>>, %arg5: memref<128x112xi32, #tpu.memory_space<vmem>>, %arg6: memref<896x32xf32, #tpu.memory_space<vmem>>, %arg7: memref<!tpu.dma_semaphore, #tpu.memory_space<semaphore_mem>>) attributes {dimension_semantics = [#tpu.dimension_semantics<core_parallel>, #tpu.dimension_semantics<subcore_parallel>], iteration_bounds = array<i64: 2, 16>, scalar_prefetch = 0 : i64, scratch_operands = 3 : i64, tpu.core_type = #tpu.core_type<sc_vector_subcore>, window_params = [{transform_indices = #map}, {transform_indices = #map1}, {transform_indices = #map}]} {
    %mul3A = arith.constant 2 : i32
    %mul3A_0 = arith.muli %arg1, %mul3A : i32
    %add3A = arith.addi %mul3A_0, %arg0 : i32
    "tpu.region"() ({
      %run_scoped3A = tpu.sem_alloc : memref<!tpu.dma_semaphore, #tpu.memory_space<semaphore_mem>>
      %dma_start3A = arith.constant 0 : i32
      %dma_start3A_8 = arith.constant 0 : i32
      %dma_start3A_9 = tpu.memref_slice %arg3[%add3A, %dma_start3A, %dma_start3A_8] : memref<32x128x112xi32, #tpu.memory_space<hbm>> -> memref<1x128x112xi32, #tpu.memory_space<hbm>>
      %dma_start3A_10 = tpu.memref_squeeze %dma_start3A_9 : memref<1x128x112xi32, #tpu.memory_space<hbm>> -> memref<128x112xi32, #tpu.memory_space<hbm>>
      %dma_start3A_11 = arith.constant 0 : i32
      %dma_start3A_12 = arith.constant 0 : i32
      %dma_start3A_13 = tpu.memref_slice %arg3[%add3A, %dma_start3A_11, %dma_start3A_12] : memref<32x128x112xi32, #tpu.memory_space<hbm>> -> memref<1x128x112xi32, #tpu.memory_space<hbm>>
      %dma_start3A_14 = tpu.memref_squeeze %dma_start3A_13 : memref<1x128x112xi32, #tpu.memory_space<hbm>> -> memref<128x112xi32, #tpu.memory_space<hbm>>
      tpu.enqueue_dma source(%dma_start3A_14 : memref<128x112xi32, #tpu.memory_space<hbm>>) target(%arg5 : memref<128x112xi32, #tpu.memory_space<vmem>>) target_semaphore(%run_scoped3A : memref<!tpu.dma_semaphore, #tpu.memory_space<semaphore_mem>>)
      %dma_wait3A = arith.constant 0 : i32
      %dma_wait3A_15 = arith.constant 0 : i32
      %dma_wait3A_16 = tpu.memref_slice %arg3[%add3A, %dma_wait3A, %dma_wait3A_15] : memref<32x128x112xi32, #tpu.memory_space<hbm>> -> memref<1x128x112xi32, #tpu.memory_space<hbm>>
      %dma_wait3A_17 = tpu.memref_squeeze %dma_wait3A_16 : memref<1x128x112xi32, #tpu.memory_space<hbm>> -> memref<128x112xi32, #tpu.memory_space<hbm>>
      %dma_wait3A_18 = arith.constant 0 : i32
      %dma_wait3A_19 = arith.constant 0 : i32
      %dma_wait3A_20 = tpu.memref_slice %arg3[%add3A, %dma_wait3A_18, %dma_wait3A_19] : memref<32x128x112xi32, #tpu.memory_space<hbm>> -> memref<1x128x112xi32, #tpu.memory_space<hbm>>
      %dma_wait3A_21 = tpu.memref_squeeze %dma_wait3A_20 : memref<1x128x112xi32, #tpu.memory_space<hbm>> -> memref<128x112xi32, #tpu.memory_space<hbm>>
      tpu.wait_dma2 semaphore(%run_scoped3A : memref<!tpu.dma_semaphore, #tpu.memory_space<semaphore_mem>>) src(%dma_wait3A_21 : memref<128x112xi32, #tpu.memory_space<hbm>>) dst(%arg5 : memref<128x112xi32, #tpu.memory_space<vmem>>)
      tpu.yield
    }) : () -> ()
    %mul3A_1 = arith.constant 14336 : i32
    %mul3A_2 = arith.muli %add3A, %mul3A_1 : i32
    %scan3A = arith.constant 0 : i32
    %scan3A_3 = arith.constant 0 : i32
    %scan3A_4 = arith.constant 16 : i32
    %scan3A_5 = arith.addi %scan3A_3, %scan3A_4 : i32
    %scan3A_6 = arith.constant 1 : i32
    scf.for %scan3A_8 = %scan3A_3 to %scan3A_5 step %scan3A_6  : i32 {
      %mul3A_9 = arith.constant 8 : i32
      %mul3A_10 = arith.muli %scan3A_8, %mul3A_9 : i32
      %add3A_11 = arith.constant 0 : i32
      %add3A_12 = arith.addi %mul3A_10, %add3A_11 : i32
      %dma_start3A = arith.constant 0 : i32
      %dma_start3A_13 = arith.constant 0 : i32
      %dma_start3A_14 = tpu.memref_slice %arg6[%dma_start3A, %dma_start3A_13] : memref<896x32xf32, #tpu.memory_space<vmem>> -> memref<112x32xf32, #tpu.memory_space<vmem>>
      %dma_start3A_15 = arith.constant 0 : i32
      %dma_start3A_16 = tpu.memref_slice %arg5[%add3A_12, %dma_start3A_15] : memref<128x112xi32, #tpu.memory_space<vmem>> -> memref<1x112xi32, #tpu.memory_space<vmem>>
      %dma_start3A_17 = tpu.memref_squeeze %dma_start3A_16 : memref<1x112xi32, #tpu.memory_space<vmem>> -> memref<112xi32, #tpu.memory_space<vmem>>
      %dma_start3A_18 = arith.constant 0 : i32
      %dma_start3A_19 = arith.constant 0 : i32
      %dma_start3A_20 = tpu.memref_slice %arg2[%dma_start3A_18, %dma_start3A_19] : memref<2600000x32xf32, #tpu.memory_space<hbm>> -> memref<2600000x32xf32, #tpu.memory_space<hbm>>
      tpu.enqueue_indirect_dma source(%dma_start3A_20 : memref<2600000x32xf32, #tpu.memory_space<hbm>>) target(%dma_start3A_14 : memref<112x32xf32, #tpu.memory_space<vmem>>) offsets(%dma_start3A_17 : memref<112xi32, #tpu.memory_space<vmem>>) semaphore(%arg7 : memref<!tpu.dma_semaphore, #tpu.memory_space<semaphore_mem>>)
      %mul3A_21 = arith.constant 8 : i32
      %mul3A_22 = arith.muli %scan3A_8, %mul3A_21 : i32
      %add3A_23 = arith.constant 1 : i32
      %add3A_24 = arith.addi %mul3A_22, %add3A_23 : i32
      %dma_start3A_25 = arith.constant 112 : i32
      %dma_start3A_26 = arith.constant 0 : i32
      %dma_start3A_27 = tpu.memref_slice %arg6[%dma_start3A_25, %dma_start3A_26] : memref<896x32xf32, #tpu.memory_space<vmem>> -> memref<112x32xf32, #tpu.memory_space<vmem>>
      %dma_start3A_28 = arith.constant 0 : i32
      %dma_start3A_29 = tpu.memref_slice %arg5[%add3A_24, %dma_start3A_28] : memref<128x112xi32, #tpu.memory_space<vmem>> -> memref<1x112xi32, #tpu.memory_space<vmem>>
      %dma_start3A_30 = tpu.memref_squeeze %dma_start3A_29 : memref<1x112xi32, #tpu.memory_space<vmem>> -> memref<112xi32, #tpu.memory_space<vmem>>
      %dma_start3A_31 = arith.constant 0 : i32
      %dma_start3A_32 = arith.constant 0 : i32
      %dma_start3A_33 = tpu.memref_slice %arg2[%dma_start3A_31, %dma_start3A_32] : memref<2600000x32xf32, #tpu.memory_space<hbm>> -> memref<2600000x32xf32, #tpu.memory_space<hbm>>
      tpu.enqueue_indirect_dma source(%dma_start3A_33 : memref<2600000x32xf32, #tpu.memory_space<hbm>>) target(%dma_start3A_27 : memref<112x32xf32, #tpu.memory_space<vmem>>) offsets(%dma_start3A_30 : memref<112xi32, #tpu.memory_space<vmem>>) semaphore(%arg7 : memref<!tpu.dma_semaphore, #tpu.memory_space<semaphore_mem>>)
      %mul3A_34 = arith.constant 8 : i32
      %mul3A_35 = arith.muli %scan3A_8, %mul3A_34 : i32
      %add3A_36 = arith.constant 2 : i32
      %add3A_37 = arith.addi %mul3A_35, %add3A_36 : i32
      %dma_start3A_38 = arith.constant 224 : i32
      %dma_start3A_39 = arith.constant 0 : i32
      %dma_start3A_40 = tpu.memref_slice %arg6[%dma_start3A_38, %dma_start3A_39] : memref<896x32xf32, #tpu.memory_space<vmem>> -> memref<112x32xf32, #tpu.memory_space<vmem>>
      %dma_start3A_41 = arith.constant 0 : i32
      %dma_start3A_42 = tpu.memref_slice %arg5[%add3A_37, %dma_start3A_41] : memref<128x112xi32, #tpu.memory_space<vmem>> -> memref<1x112xi32, #tpu.memory_space<vmem>>
      %dma_start3A_43 = tpu.memref_squeeze %dma_start3A_42 : memref<1x112xi32, #tpu.memory_space<vmem>> -> memref<112xi32, #tpu.memory_space<vmem>>
      %dma_start3A_44 = arith.constant 0 : i32
      %dma_start3A_45 = arith.constant 0 : i32
      %dma_start3A_46 = tpu.memref_slice %arg2[%dma_start3A_44, %dma_start3A_45] : memref<2600000x32xf32, #tpu.memory_space<hbm>> -> memref<2600000x32xf32, #tpu.memory_space<hbm>>
      tpu.enqueue_indirect_dma source(%dma_start3A_46 : memref<2600000x32xf32, #tpu.memory_space<hbm>>) target(%dma_start3A_40 : memref<112x32xf32, #tpu.memory_space<vmem>>) offsets(%dma_start3A_43 : memref<112xi32, #tpu.memory_space<vmem>>) semaphore(%arg7 : memref<!tpu.dma_semaphore, #tpu.memory_space<semaphore_mem>>)
      %mul3A_47 = arith.constant 8 : i32
      %mul3A_48 = arith.muli %scan3A_8, %mul3A_47 : i32
      %add3A_49 = arith.constant 3 : i32
      %add3A_50 = arith.addi %mul3A_48, %add3A_49 : i32
      %dma_start3A_51 = arith.constant 336 : i32
      %dma_start3A_52 = arith.constant 0 : i32
      %dma_start3A_53 = tpu.memref_slice %arg6[%dma_start3A_51, %dma_start3A_52] : memref<896x32xf32, #tpu.memory_space<vmem>> -> memref<112x32xf32, #tpu.memory_space<vmem>>
      %dma_start3A_54 = arith.constant 0 : i32
      %dma_start3A_55 = tpu.memref_slice %arg5[%add3A_50, %dma_start3A_54] : memref<128x112xi32, #tpu.memory_space<vmem>> -> memref<1x112xi32, #tpu.memory_space<vmem>>
      %dma_start3A_56 = tpu.memref_squeeze %dma_start3A_55 : memref<1x112xi32, #tpu.memory_space<vmem>> -> memref<112xi32, #tpu.memory_space<vmem>>
      %dma_start3A_57 = arith.constant 0 : i32
      %dma_start3A_58 = arith.constant 0 : i32
      %dma_start3A_59 = tpu.memref_slice %arg2[%dma_start3A_57, %dma_start3A_58] : memref<2600000x32xf32, #tpu.memory_space<hbm>> -> memref<2600000x32xf32, #tpu.memory_space<hbm>>
      tpu.enqueue_indirect_dma source(%dma_start3A_59 : memref<2600000x32xf32, #tpu.memory_space<hbm>>) target(%dma_start3A_53 : memref<112x32xf32, #tpu.memory_space<vmem>>) offsets(%dma_start3A_56 : memref<112xi32, #tpu.memory_space<vmem>>) semaphore(%arg7 : memref<!tpu.dma_semaphore, #tpu.memory_space<semaphore_mem>>)
      %mul3A_60 = arith.constant 8 : i32
      %mul3A_61 = arith.muli %scan3A_8, %mul3A_60 : i32
      %add3A_62 = arith.constant 4 : i32
      %add3A_63 = arith.addi %mul3A_61, %add3A_62 : i32
      %dma_start3A_64 = arith.constant 448 : i32
      %dma_start3A_65 = arith.constant 0 : i32
      %dma_start3A_66 = tpu.memref_slice %arg6[%dma_start3A_64, %dma_start3A_65] : memref<896x32xf32, #tpu.memory_space<vmem>> -> memref<112x32xf32, #tpu.memory_space<vmem>>
      %dma_start3A_67 = arith.constant 0 : i32
      %dma_start3A_68 = tpu.memref_slice %arg5[%add3A_63, %dma_start3A_67] : memref<128x112xi32, #tpu.memory_space<vmem>> -> memref<1x112xi32, #tpu.memory_space<vmem>>
      %dma_start3A_69 = tpu.memref_squeeze %dma_start3A_68 : memref<1x112xi32, #tpu.memory_space<vmem>> -> memref<112xi32, #tpu.memory_space<vmem>>
      %dma_start3A_70 = arith.constant 0 : i32
      %dma_start3A_71 = arith.constant 0 : i32
      %dma_start3A_72 = tpu.memref_slice %arg2[%dma_start3A_70, %dma_start3A_71] : memref<2600000x32xf32, #tpu.memory_space<hbm>> -> memref<2600000x32xf32, #tpu.memory_space<hbm>>
      tpu.enqueue_indirect_dma source(%dma_start3A_72 : memref<2600000x32xf32, #tpu.memory_space<hbm>>) target(%dma_start3A_66 : memref<112x32xf32, #tpu.memory_space<vmem>>) offsets(%dma_start3A_69 : memref<112xi32, #tpu.memory_space<vmem>>) semaphore(%arg7 : memref<!tpu.dma_semaphore, #tpu.memory_space<semaphore_mem>>)
      %mul3A_73 = arith.constant 8 : i32
      %mul3A_74 = arith.muli %scan3A_8, %mul3A_73 : i32
      %add3A_75 = arith.constant 5 : i32
      %add3A_76 = arith.addi %mul3A_74, %add3A_75 : i32
      %dma_start3A_77 = arith.constant 560 : i32
      %dma_start3A_78 = arith.constant 0 : i32
      %dma_start3A_79 = tpu.memref_slice %arg6[%dma_start3A_77, %dma_start3A_78] : memref<896x32xf32, #tpu.memory_space<vmem>> -> memref<112x32xf32, #tpu.memory_space<vmem>>
      %dma_start3A_80 = arith.constant 0 : i32
      %dma_start3A_81 = tpu.memref_slice %arg5[%add3A_76, %dma_start3A_80] : memref<128x112xi32, #tpu.memory_space<vmem>> -> memref<1x112xi32, #tpu.memory_space<vmem>>
      %dma_start3A_82 = tpu.memref_squeeze %dma_start3A_81 : memref<1x112xi32, #tpu.memory_space<vmem>> -> memref<112xi32, #tpu.memory_space<vmem>>
      %dma_start3A_83 = arith.constant 0 : i32
      %dma_start3A_84 = arith.constant 0 : i32
      %dma_start3A_85 = tpu.memref_slice %arg2[%dma_start3A_83, %dma_start3A_84] : memref<2600000x32xf32, #tpu.memory_space<hbm>> -> memref<2600000x32xf32, #tpu.memory_space<hbm>>
      tpu.enqueue_indirect_dma source(%dma_start3A_85 : memref<2600000x32xf32, #tpu.memory_space<hbm>>) target(%dma_start3A_79 : memref<112x32xf32, #tpu.memory_space<vmem>>) offsets(%dma_start3A_82 : memref<112xi32, #tpu.memory_space<vmem>>) semaphore(%arg7 : memref<!tpu.dma_semaphore, #tpu.memory_space<semaphore_mem>>)
      %mul3A_86 = arith.constant 8 : i32
      %mul3A_87 = arith.muli %scan3A_8, %mul3A_86 : i32
      %add3A_88 = arith.constant 6 : i32
      %add3A_89 = arith.addi %mul3A_87, %add3A_88 : i32
      %dma_start3A_90 = arith.constant 672 : i32
      %dma_start3A_91 = arith.constant 0 : i32
      %dma_start3A_92 = tpu.memref_slice %arg6[%dma_start3A_90, %dma_start3A_91] : memref<896x32xf32, #tpu.memory_space<vmem>> -> memref<112x32xf32, #tpu.memory_space<vmem>>
      %dma_start3A_93 = arith.constant 0 : i32
      %dma_start3A_94 = tpu.memref_slice %arg5[%add3A_89, %dma_start3A_93] : memref<128x112xi32, #tpu.memory_space<vmem>> -> memref<1x112xi32, #tpu.memory_space<vmem>>
      %dma_start3A_95 = tpu.memref_squeeze %dma_start3A_94 : memref<1x112xi32, #tpu.memory_space<vmem>> -> memref<112xi32, #tpu.memory_space<vmem>>
      %dma_start3A_96 = arith.constant 0 : i32
      %dma_start3A_97 = arith.constant 0 : i32
      %dma_start3A_98 = tpu.memref_slice %arg2[%dma_start3A_96, %dma_start3A_97] : memref<2600000x32xf32, #tpu.memory_space<hbm>> -> memref<2600000x32xf32, #tpu.memory_space<hbm>>
      tpu.enqueue_indirect_dma source(%dma_start3A_98 : memref<2600000x32xf32, #tpu.memory_space<hbm>>) target(%dma_start3A_92 : memref<112x32xf32, #tpu.memory_space<vmem>>) offsets(%dma_start3A_95 : memref<112xi32, #tpu.memory_space<vmem>>) semaphore(%arg7 : memref<!tpu.dma_semaphore, #tpu.memory_space<semaphore_mem>>)
      %mul3A_99 = arith.constant 8 : i32
      %mul3A_100 = arith.muli %scan3A_8, %mul3A_99 : i32
      %add3A_101 = arith.constant 7 : i32
      %add3A_102 = arith.addi %mul3A_100, %add3A_101 : i32
      %dma_start3A_103 = arith.constant 784 : i32
      %dma_start3A_104 = arith.constant 0 : i32
      %dma_start3A_105 = tpu.memref_slice %arg6[%dma_start3A_103, %dma_start3A_104] : memref<896x32xf32, #tpu.memory_space<vmem>> -> memref<112x32xf32, #tpu.memory_space<vmem>>
      %dma_start3A_106 = arith.constant 0 : i32
      %dma_start3A_107 = tpu.memref_slice %arg5[%add3A_102, %dma_start3A_106] : memref<128x112xi32, #tpu.memory_space<vmem>> -> memref<1x112xi32, #tpu.memory_space<vmem>>
      %dma_start3A_108 = tpu.memref_squeeze %dma_start3A_107 : memref<1x112xi32, #tpu.memory_space<vmem>> -> memref<112xi32, #tpu.memory_space<vmem>>
      %dma_start3A_109 = arith.constant 0 : i32
      %dma_start3A_110 = arith.constant 0 : i32
      %dma_start3A_111 = tpu.memref_slice %arg2[%dma_start3A_109, %dma_start3A_110] : memref<2600000x32xf32, #tpu.memory_space<hbm>> -> memref<2600000x32xf32, #tpu.memory_space<hbm>>
      tpu.enqueue_indirect_dma source(%dma_start3A_111 : memref<2600000x32xf32, #tpu.memory_space<hbm>>) target(%dma_start3A_105 : memref<112x32xf32, #tpu.memory_space<vmem>>) offsets(%dma_start3A_108 : memref<112xi32, #tpu.memory_space<vmem>>) semaphore(%arg7 : memref<!tpu.dma_semaphore, #tpu.memory_space<semaphore_mem>>)
      %dma_wait3A = arith.constant 0 : i32
      %dma_wait3A_112 = arith.constant 0 : i32
      %dma_wait3A_113 = tpu.memref_slice %arg6[%dma_wait3A, %dma_wait3A_112] : memref<896x32xf32, #tpu.memory_space<vmem>> -> memref<112x32xf32, #tpu.memory_space<vmem>>
      %dma_wait3A_114 = arith.constant 0 : i32
      %dma_wait3A_115 = tpu.memref_slice %arg5[%add3A_12, %dma_wait3A_114] : memref<128x112xi32, #tpu.memory_space<vmem>> -> memref<1x112xi32, #tpu.memory_space<vmem>>
      %dma_wait3A_116 = tpu.memref_squeeze %dma_wait3A_115 : memref<1x112xi32, #tpu.memory_space<vmem>> -> memref<112xi32, #tpu.memory_space<vmem>>
      %dma_wait3A_117 = arith.constant 0 : i32
      %dma_wait3A_118 = arith.constant 0 : i32
      %dma_wait3A_119 = tpu.memref_slice %arg2[%dma_wait3A_117, %dma_wait3A_118] : memref<2600000x32xf32, #tpu.memory_space<hbm>> -> memref<2600000x32xf32, #tpu.memory_space<hbm>>
      tpu.wait_indirect_dma semaphore(%arg7 : memref<!tpu.dma_semaphore, #tpu.memory_space<semaphore_mem>>) src(%dma_wait3A_119 : memref<2600000x32xf32, #tpu.memory_space<hbm>>) dst(%dma_wait3A_113 : memref<112x32xf32, #tpu.memory_space<vmem>>)
      %dma_wait3A_120 = arith.constant 112 : i32
      %dma_wait3A_121 = arith.constant 0 : i32
      %dma_wait3A_122 = tpu.memref_slice %arg6[%dma_wait3A_120, %dma_wait3A_121] : memref<896x32xf32, #tpu.memory_space<vmem>> -> memref<112x32xf32, #tpu.memory_space<vmem>>
      %dma_wait3A_123 = arith.constant 0 : i32
      %dma_wait3A_124 = tpu.memref_slice %arg5[%add3A_24, %dma_wait3A_123] : memref<128x112xi32, #tpu.memory_space<vmem>> -> memref<1x112xi32, #tpu.memory_space<vmem>>
      %dma_wait3A_125 = tpu.memref_squeeze %dma_wait3A_124 : memref<1x112xi32, #tpu.memory_space<vmem>> -> memref<112xi32, #tpu.memory_space<vmem>>
      %dma_wait3A_126 = arith.constant 0 : i32
      %dma_wait3A_127 = arith.constant 0 : i32
      %dma_wait3A_128 = tpu.memref_slice %arg2[%dma_wait3A_126, %dma_wait3A_127] : memref<2600000x32xf32, #tpu.memory_space<hbm>> -> memref<2600000x32xf32, #tpu.memory_space<hbm>>
      tpu.wait_indirect_dma semaphore(%arg7 : memref<!tpu.dma_semaphore, #tpu.memory_space<semaphore_mem>>) src(%dma_wait3A_128 : memref<2600000x32xf32, #tpu.memory_space<hbm>>) dst(%dma_wait3A_122 : memref<112x32xf32, #tpu.memory_space<vmem>>)
      %dma_wait3A_129 = arith.constant 224 : i32
      %dma_wait3A_130 = arith.constant 0 : i32
      %dma_wait3A_131 = tpu.memref_slice %arg6[%dma_wait3A_129, %dma_wait3A_130] : memref<896x32xf32, #tpu.memory_space<vmem>> -> memref<112x32xf32, #tpu.memory_space<vmem>>
      %dma_wait3A_132 = arith.constant 0 : i32
      %dma_wait3A_133 = tpu.memref_slice %arg5[%add3A_37, %dma_wait3A_132] : memref<128x112xi32, #tpu.memory_space<vmem>> -> memref<1x112xi32, #tpu.memory_space<vmem>>
      %dma_wait3A_134 = tpu.memref_squeeze %dma_wait3A_133 : memref<1x112xi32, #tpu.memory_space<vmem>> -> memref<112xi32, #tpu.memory_space<vmem>>
      %dma_wait3A_135 = arith.constant 0 : i32
      %dma_wait3A_136 = arith.constant 0 : i32
      %dma_wait3A_137 = tpu.memref_slice %arg2[%dma_wait3A_135, %dma_wait3A_136] : memref<2600000x32xf32, #tpu.memory_space<hbm>> -> memref<2600000x32xf32, #tpu.memory_space<hbm>>
      tpu.wait_indirect_dma semaphore(%arg7 : memref<!tpu.dma_semaphore, #tpu.memory_space<semaphore_mem>>) src(%dma_wait3A_137 : memref<2600000x32xf32, #tpu.memory_space<hbm>>) dst(%dma_wait3A_131 : memref<112x32xf32, #tpu.memory_space<vmem>>)
      %dma_wait3A_138 = arith.constant 336 : i32
      %dma_wait3A_139 = arith.constant 0 : i32
      %dma_wait3A_140 = tpu.memref_slice %arg6[%dma_wait3A_138, %dma_wait3A_139] : memref<896x32xf32, #tpu.memory_space<vmem>> -> memref<112x32xf32, #tpu.memory_space<vmem>>
      %dma_wait3A_141 = arith.constant 0 : i32
      %dma_wait3A_142 = tpu.memref_slice %arg5[%add3A_50, %dma_wait3A_141] : memref<128x112xi32, #tpu.memory_space<vmem>> -> memref<1x112xi32, #tpu.memory_space<vmem>>
      %dma_wait3A_143 = tpu.memref_squeeze %dma_wait3A_142 : memref<1x112xi32, #tpu.memory_space<vmem>> -> memref<112xi32, #tpu.memory_space<vmem>>
      %dma_wait3A_144 = arith.constant 0 : i32
      %dma_wait3A_145 = arith.constant 0 : i32
      %dma_wait3A_146 = tpu.memref_slice %arg2[%dma_wait3A_144, %dma_wait3A_145] : memref<2600000x32xf32, #tpu.memory_space<hbm>> -> memref<2600000x32xf32, #tpu.memory_space<hbm>>
      tpu.wait_indirect_dma semaphore(%arg7 : memref<!tpu.dma_semaphore, #tpu.memory_space<semaphore_mem>>) src(%dma_wait3A_146 : memref<2600000x32xf32, #tpu.memory_space<hbm>>) dst(%dma_wait3A_140 : memref<112x32xf32, #tpu.memory_space<vmem>>)
      %dma_wait3A_147 = arith.constant 448 : i32
      %dma_wait3A_148 = arith.constant 0 : i32
      %dma_wait3A_149 = tpu.memref_slice %arg6[%dma_wait3A_147, %dma_wait3A_148] : memref<896x32xf32, #tpu.memory_space<vmem>> -> memref<112x32xf32, #tpu.memory_space<vmem>>
      %dma_wait3A_150 = arith.constant 0 : i32
      %dma_wait3A_151 = tpu.memref_slice %arg5[%add3A_63, %dma_wait3A_150] : memref<128x112xi32, #tpu.memory_space<vmem>> -> memref<1x112xi32, #tpu.memory_space<vmem>>
      %dma_wait3A_152 = tpu.memref_squeeze %dma_wait3A_151 : memref<1x112xi32, #tpu.memory_space<vmem>> -> memref<112xi32, #tpu.memory_space<vmem>>
      %dma_wait3A_153 = arith.constant 0 : i32
      %dma_wait3A_154 = arith.constant 0 : i32
      %dma_wait3A_155 = tpu.memref_slice %arg2[%dma_wait3A_153, %dma_wait3A_154] : memref<2600000x32xf32, #tpu.memory_space<hbm>> -> memref<2600000x32xf32, #tpu.memory_space<hbm>>
      tpu.wait_indirect_dma semaphore(%arg7 : memref<!tpu.dma_semaphore, #tpu.memory_space<semaphore_mem>>) src(%dma_wait3A_155 : memref<2600000x32xf32, #tpu.memory_space<hbm>>) dst(%dma_wait3A_149 : memref<112x32xf32, #tpu.memory_space<vmem>>)
      %dma_wait3A_156 = arith.constant 560 : i32
      %dma_wait3A_157 = arith.constant 0 : i32
      %dma_wait3A_158 = tpu.memref_slice %arg6[%dma_wait3A_156, %dma_wait3A_157] : memref<896x32xf32, #tpu.memory_space<vmem>> -> memref<112x32xf32, #tpu.memory_space<vmem>>
      %dma_wait3A_159 = arith.constant 0 : i32
      %dma_wait3A_160 = tpu.memref_slice %arg5[%add3A_76, %dma_wait3A_159] : memref<128x112xi32, #tpu.memory_space<vmem>> -> memref<1x112xi32, #tpu.memory_space<vmem>>
      %dma_wait3A_161 = tpu.memref_squeeze %dma_wait3A_160 : memref<1x112xi32, #tpu.memory_space<vmem>> -> memref<112xi32, #tpu.memory_space<vmem>>
      %dma_wait3A_162 = arith.constant 0 : i32
      %dma_wait3A_163 = arith.constant 0 : i32
      %dma_wait3A_164 = tpu.memref_slice %arg2[%dma_wait3A_162, %dma_wait3A_163] : memref<2600000x32xf32, #tpu.memory_space<hbm>> -> memref<2600000x32xf32, #tpu.memory_space<hbm>>
      tpu.wait_indirect_dma semaphore(%arg7 : memref<!tpu.dma_semaphore, #tpu.memory_space<semaphore_mem>>) src(%dma_wait3A_164 : memref<2600000x32xf32, #tpu.memory_space<hbm>>) dst(%dma_wait3A_158 : memref<112x32xf32, #tpu.memory_space<vmem>>)
      %dma_wait3A_165 = arith.constant 672 : i32
      %dma_wait3A_166 = arith.constant 0 : i32
      %dma_wait3A_167 = tpu.memref_slice %arg6[%dma_wait3A_165, %dma_wait3A_166] : memref<896x32xf32, #tpu.memory_space<vmem>> -> memref<112x32xf32, #tpu.memory_space<vmem>>
      %dma_wait3A_168 = arith.constant 0 : i32
      %dma_wait3A_169 = tpu.memref_slice %arg5[%add3A_89, %dma_wait3A_168] : memref<128x112xi32, #tpu.memory_space<vmem>> -> memref<1x112xi32, #tpu.memory_space<vmem>>
      %dma_wait3A_170 = tpu.memref_squeeze %dma_wait3A_169 : memref<1x112xi32, #tpu.memory_space<vmem>> -> memref<112xi32, #tpu.memory_space<vmem>>
      %dma_wait3A_171 = arith.constant 0 : i32
      %dma_wait3A_172 = arith.constant 0 : i32
      %dma_wait3A_173 = tpu.memref_slice %arg2[%dma_wait3A_171, %dma_wait3A_172] : memref<2600000x32xf32, #tpu.memory_space<hbm>> -> memref<2600000x32xf32, #tpu.memory_space<hbm>>
      tpu.wait_indirect_dma semaphore(%arg7 : memref<!tpu.dma_semaphore, #tpu.memory_space<semaphore_mem>>) src(%dma_wait3A_173 : memref<2600000x32xf32, #tpu.memory_space<hbm>>) dst(%dma_wait3A_167 : memref<112x32xf32, #tpu.memory_space<vmem>>)
      %dma_wait3A_174 = arith.constant 784 : i32
      %dma_wait3A_175 = arith.constant 0 : i32
      %dma_wait3A_176 = tpu.memref_slice %arg6[%dma_wait3A_174, %dma_wait3A_175] : memref<896x32xf32, #tpu.memory_space<vmem>> -> memref<112x32xf32, #tpu.memory_space<vmem>>
      %dma_wait3A_177 = arith.constant 0 : i32
      %dma_wait3A_178 = tpu.memref_slice %arg5[%add3A_102, %dma_wait3A_177] : memref<128x112xi32, #tpu.memory_space<vmem>> -> memref<1x112xi32, #tpu.memory_space<vmem>>
      %dma_wait3A_179 = tpu.memref_squeeze %dma_wait3A_178 : memref<1x112xi32, #tpu.memory_space<vmem>> -> memref<112xi32, #tpu.memory_space<vmem>>
      %dma_wait3A_180 = arith.constant 0 : i32
      %dma_wait3A_181 = arith.constant 0 : i32
      %dma_wait3A_182 = tpu.memref_slice %arg2[%dma_wait3A_180, %dma_wait3A_181] : memref<2600000x32xf32, #tpu.memory_space<hbm>> -> memref<2600000x32xf32, #tpu.memory_space<hbm>>
      tpu.wait_indirect_dma semaphore(%arg7 : memref<!tpu.dma_semaphore, #tpu.memory_space<semaphore_mem>>) src(%dma_wait3A_182 : memref<2600000x32xf32, #tpu.memory_space<hbm>>) dst(%dma_wait3A_176 : memref<112x32xf32, #tpu.memory_space<vmem>>)
      %mul3A_183 = arith.constant 896 : i32
      %mul3A_184 = arith.muli %scan3A_8, %mul3A_183 : i32
      %add3A_185 = arith.addi %mul3A_2, %mul3A_184 : i32
      "tpu.region"() ({
        %run_scoped3A = tpu.sem_alloc : memref<!tpu.dma_semaphore, #tpu.memory_space<semaphore_mem>>
        %dma_start3A_186 = arith.constant 0 : i32
        %dma_start3A_187 = tpu.memref_slice %arg4[%add3A_185, %dma_start3A_186] : memref<458752x32xf32, #tpu.memory_space<hbm>> -> memref<896x32xf32, #tpu.memory_space<hbm>>
        %dma_start3A_188 = arith.constant 0 : i32
        %dma_start3A_189 = tpu.memref_slice %arg4[%add3A_185, %dma_start3A_188] : memref<458752x32xf32, #tpu.memory_space<hbm>> -> memref<896x32xf32, #tpu.memory_space<hbm>>
        tpu.enqueue_dma source(%arg6 : memref<896x32xf32, #tpu.memory_space<vmem>>) target(%dma_start3A_189 : memref<896x32xf32, #tpu.memory_space<hbm>>) target_semaphore(%run_scoped3A : memref<!tpu.dma_semaphore, #tpu.memory_space<semaphore_mem>>)
        %dma_wait3A_190 = arith.constant 0 : i32
        %dma_wait3A_191 = tpu.memref_slice %arg4[%add3A_185, %dma_wait3A_190] : memref<458752x32xf32, #tpu.memory_space<hbm>> -> memref<896x32xf32, #tpu.memory_space<hbm>>
        %dma_wait3A_192 = arith.constant 0 : i32
        %dma_wait3A_193 = tpu.memref_slice %arg4[%add3A_185, %dma_wait3A_192] : memref<458752x32xf32, #tpu.memory_space<hbm>> -> memref<896x32xf32, #tpu.memory_space<hbm>>
        tpu.wait_dma2 semaphore(%run_scoped3A : memref<!tpu.dma_semaphore, #tpu.memory_space<semaphore_mem>>) src(%arg6 : memref<896x32xf32, #tpu.memory_space<vmem>>) dst(%dma_wait3A_193 : memref<896x32xf32, #tpu.memory_space<hbm>>)
        tpu.yield
      }) : () -> ()
    }
    %scan3A_7 = arith.constant 16 : i32
    return
  }
}

module attributes {stable_mosaic.version = 14 : i64} {
  func.func @_mlp_body(%arg0: i32, %arg1: memref<16384x128xf32, #tpu.memory_space<vmem>>, %arg2: memref<1x128xf32, #tpu.memory_space<vmem>>, %arg3: memref<1x128xf32, #tpu.memory_space<vmem>>, %arg4: memref<1024x896xf32, #tpu.memory_space<vmem>>, %arg5: memref<512x896xbf16, #tpu.memory_space<vmem>>, %arg6: memref<512x128xf32, #tpu.memory_space<vmem>>, %arg7: memref<1x512xf32, #tpu.memory_space<vmem>>, %arg8: memref<256x512xbf16, #tpu.memory_space<vmem>>, %arg9: memref<1x256xf32, #tpu.memory_space<vmem>>, %arg10: memref<1024x256xf32, #tpu.memory_space<vmem>>, %arg11: memref<2x128xf32, #tpu.memory_space<vmem>>) attributes {dimension_semantics = [#tpu.dimension_semantics<arbitrary>], iteration_bounds = array<i64: 16>, scalar_prefetch = 0 : i64, scratch_operands = 1 : i64, tpu.core_type = #tpu.core_type<tc>, window_params = [{pipeline_mode = #tpu.pipeline_mode<synchronous>, transform_indices = @transform_0, window_bounds = array<i64: 16384, 128>}, {pipeline_mode = #tpu.pipeline_mode<synchronous>, transform_indices = @transform_1, window_bounds = array<i64: 1, 128>}, {pipeline_mode = #tpu.pipeline_mode<synchronous>, transform_indices = @transform_2, window_bounds = array<i64: 1, 128>}, {transform_indices = @transform_3, window_bounds = array<i64: 1024, 896>}, {pipeline_mode = #tpu.pipeline_mode<synchronous>, transform_indices = @transform_4, window_bounds = array<i64: 512, 896>}, {pipeline_mode = #tpu.pipeline_mode<synchronous>, transform_indices = @transform_5, window_bounds = array<i64: 512, 128>}, {pipeline_mode = #tpu.pipeline_mode<synchronous>, transform_indices = @transform_6, window_bounds = array<i64: 1, 512>}, {pipeline_mode = #tpu.pipeline_mode<synchronous>, transform_indices = @transform_7, window_bounds = array<i64: 256, 512>}, {pipeline_mode = #tpu.pipeline_mode<synchronous>, transform_indices = @transform_8, window_bounds = array<i64: 1, 256>}, {transform_indices = @transform_9, window_bounds = array<i64: 1024, 256>}]} {
    %eq3A = arith.constant 0 : i32
    %eq3A_0 = arith.cmpi eq, %arg0, %eq3A : i32
    %convert_element_type3A = arith.extui %eq3A_0 : i1 to i32
    %cond3A = arith.constant 0 : i32
    %cond3A_1 = arith.cmpi ne, %convert_element_type3A, %cond3A : i32
    scf.if %cond3A_1 {
      %get3A_58 = arith.constant 0 : index
      %get3A_59 = arith.constant 0 : index
      %get3A_60 = vector.load %arg1[%get3A_58, %get3A_59] : memref<16384x128xf32, #tpu.memory_space<vmem>>, vector<16384x128xf32>
      %reduce_sum3A = arith.constant dense<0.000000e+00> : vector<128xf32>
      %reduce_sum3A_61 = vector.multi_reduction <add>, %get3A_60, %reduce_sum3A [0] : vector<16384x128xf32> to vector<128xf32>
      %div3A = arith.constant 1.638400e+04 : f32
      %div3A_62 = vector.broadcast %div3A : f32 to vector<128xf32>
      %div3A_63 = arith.divf %reduce_sum3A_61, %div3A_62 : vector<128xf32>
      %mul3A_64 = arith.mulf %get3A_60, %get3A_60 : vector<16384x128xf32>
      %reduce_sum3A_65 = arith.constant dense<0.000000e+00> : vector<128xf32>
      %reduce_sum3A_66 = vector.multi_reduction <add>, %mul3A_64, %reduce_sum3A_65 [0] : vector<16384x128xf32> to vector<128xf32>
      %div3A_67 = arith.constant 1.638400e+04 : f32
      %div3A_68 = vector.broadcast %div3A_67 : f32 to vector<128xf32>
      %div3A_69 = arith.divf %reduce_sum3A_66, %div3A_68 : vector<128xf32>
      %mul3A_70 = arith.mulf %div3A_63, %div3A_63 : vector<128xf32>
      %sub3A = arith.subf %div3A_69, %mul3A_70 : vector<128xf32>
      %get3A_71 = arith.constant 0 : index
      %get3A_72 = arith.constant 0 : index
      %get3A_73 = vector.load %arg2[%get3A_71, %get3A_72] : memref<1x128xf32, #tpu.memory_space<vmem>>, vector<1x128xf32>
      %get3A_74 = vector.shape_cast %get3A_73 : vector<1x128xf32> to vector<128xf32>
      %add3A_75 = arith.constant 9.99999974E-6 : f32
      %add3A_76 = vector.broadcast %add3A_75 : f32 to vector<128xf32>
      %add3A_77 = arith.addf %sub3A, %add3A_76 : vector<128xf32>
      %rsqrt3A = math.rsqrt %add3A_77 : vector<128xf32>
      %mul3A_78 = arith.mulf %get3A_74, %rsqrt3A : vector<128xf32>
      %swap3A_79 = arith.constant 0 : index
      %swap3A_80 = arith.constant 0 : index
      %swap3A_81 = vector.load %arg11[%swap3A_79, %swap3A_80] : memref<2x128xf32, #tpu.memory_space<vmem>>, vector<1x128xf32>
      %swap3A_82 = vector.shape_cast %swap3A_81 : vector<1x128xf32> to vector<128xf32>
      %swap3A_83 = vector.shape_cast %mul3A_78 : vector<128xf32> to vector<1x128xf32>
      tpu.vector_store %arg11[%swap3A_79, %swap3A_80], %swap3A_83 {strides = array<i32>} : memref<2x128xf32, #tpu.memory_space<vmem>>, vector<1x128xf32>,
      %get3A_84 = arith.constant 0 : index
      %get3A_85 = arith.constant 0 : index
      %get3A_86 = vector.load %arg3[%get3A_84, %get3A_85] : memref<1x128xf32, #tpu.memory_space<vmem>>, vector<1x128xf32>
      %get3A_87 = vector.shape_cast %get3A_86 : vector<1x128xf32> to vector<128xf32>
      %mul3A_88 = arith.mulf %div3A_63, %mul3A_78 : vector<128xf32>
      %sub3A_89 = arith.subf %get3A_87, %mul3A_88 : vector<128xf32>
      %swap3A_90 = arith.constant 1 : index
      %swap3A_91 = arith.constant 0 : index
      %swap3A_92 = vector.load %arg11[%swap3A_90, %swap3A_91] : memref<2x128xf32, #tpu.memory_space<vmem>>, vector<1x128xf32>
      %swap3A_93 = vector.shape_cast %swap3A_92 : vector<1x128xf32> to vector<128xf32>
      %swap3A_94 = vector.shape_cast %sub3A_89 : vector<128xf32> to vector<1x128xf32>
      tpu.vector_store %arg11[%swap3A_90, %swap3A_91], %swap3A_94 {strides = array<i32>} : memref<2x128xf32, #tpu.memory_space<vmem>>, vector<1x128xf32>,
    } else {
    }
    %get3A = arith.constant 0 : index
    %get3A_2 = arith.constant 0 : index
    %get3A_3 = vector.load %arg11[%get3A, %get3A_2] : memref<2x128xf32, #tpu.memory_space<vmem>>, vector<1x128xf32>
    %get3A_4 = vector.shape_cast %get3A_3 : vector<1x128xf32> to vector<128xf32>
    %get3A_5 = arith.constant 1 : index
    %get3A_6 = arith.constant 0 : index
    %get3A_7 = vector.load %arg11[%get3A_5, %get3A_6] : memref<2x128xf32, #tpu.memory_space<vmem>>, vector<1x128xf32>
    %get3A_8 = vector.shape_cast %get3A_7 : vector<1x128xf32> to vector<128xf32>
    %mul3A = arith.constant 1024 : i32
    %mul3A_9 = arith.muli %arg0, %mul3A : i32
    %get3A_10 = arith.index_cast %mul3A_9 : i32 to index
    %get3A_11 = arith.constant 0 : index
    %get3A_12 = vector.load %arg1[%get3A_10, %get3A_11] : memref<16384x128xf32, #tpu.memory_space<vmem>>, vector<1024x128xf32>
    %broadcast_in_dim3A = vector.shape_cast %get3A_4 : vector<128xf32> to vector<1x128xf32>
    %mul3A_13 = vector.broadcast %broadcast_in_dim3A : vector<1x128xf32> to vector<1024x128xf32>
    %mul3A_14 = arith.mulf %get3A_12, %mul3A_13 : vector<1024x128xf32>
    %broadcast_in_dim3A_15 = vector.shape_cast %get3A_8 : vector<128xf32> to vector<1x128xf32>
    %add3A = vector.broadcast %broadcast_in_dim3A_15 : vector<1x128xf32> to vector<1024x128xf32>
    %add3A_16 = arith.addf %mul3A_14, %add3A : vector<1024x128xf32>
    %get3A_17 = arith.constant 0 : index
    %get3A_18 = arith.constant 0 : index
    %get3A_19 = vector.load %arg4[%get3A_17, %get3A_18] : memref<1024x896xf32, #tpu.memory_space<vmem>>, vector<1024x896xf32>
    %convert_element_type3A_20 = arith.truncf %get3A_19 : vector<1024x896xf32> to vector<1024x896xbf16>
    %get3A_21 = arith.constant 0 : index
    %get3A_22 = arith.constant 0 : index
    %get3A_23 = vector.load %arg5[%get3A_21, %get3A_22] : memref<512x896xbf16, #tpu.memory_space<vmem>>, vector<512x896xbf16>
    %dot_general3A = arith.constant dense<0.000000e+00> : vector<1024x512xf32>
    %dot_general3A_24 = tpu.matmul %convert_element_type3A_20, %get3A_23, %dot_general3A {dimension_numbers = #tpu.dot_dimension_numbers<[1], [1], [0], [0], [0, 0, 1, 0], [], []>, transpose_lhs_hint = false} : vector<1024x896xbf16>, vector<512x896xbf16>, vector<1024x512xf32> -> vector<1024x512xf32>
    %get3A_25 = arith.constant 0 : index
    %get3A_26 = arith.constant 0 : index
    %get3A_27 = vector.load %arg6[%get3A_25, %get3A_26] : memref<512x128xf32, #tpu.memory_space<vmem>>, vector<512x128xf32>
    %dot_general3A_28 = arith.constant dense<0.000000e+00> : vector<1024x512xf32>
    %dot_general3A_29 = tpu.matmul %add3A_16, %get3A_27, %dot_general3A_28 {dimension_numbers = #tpu.dot_dimension_numbers<[1], [1], [0], [0], [0, 0, 1, 0], [], []>, transpose_lhs_hint = false} : vector<1024x128xf32>, vector<512x128xf32>, vector<1024x512xf32> -> vector<1024x512xf32>
    %add3A_30 = arith.addf %dot_general3A_24, %dot_general3A_29 : vector<1024x512xf32>
    %get3A_31 = arith.constant 0 : index
    %get3A_32 = arith.constant 0 : index
    %get3A_33 = vector.load %arg7[%get3A_31, %get3A_32] : memref<1x512xf32, #tpu.memory_space<vmem>>, vector<1x512xf32>
    %get3A_34 = vector.shape_cast %get3A_33 : vector<1x512xf32> to vector<512xf32>
    %broadcast_in_dim3A_35 = vector.shape_cast %get3A_34 : vector<512xf32> to vector<1x512xf32>
    %add3A_36 = vector.broadcast %broadcast_in_dim3A_35 : vector<1x512xf32> to vector<1024x512xf32>
    %add3A_37 = arith.addf %add3A_30, %add3A_36 : vector<1024x512xf32>
    %max3A = arith.constant 0.000000e+00 : f32
    %max3A_38 = vector.broadcast %max3A : f32 to vector<1024x512xf32>
    %max3A_39 = arith.maximumf %add3A_37, %max3A_38 : vector<1024x512xf32>
    %convert_element_type3A_40 = arith.truncf %max3A_39 : vector<1024x512xf32> to vector<1024x512xbf16>
    %get3A_41 = arith.constant 0 : index
    %get3A_42 = arith.constant 0 : index
    %get3A_43 = vector.load %arg8[%get3A_41, %get3A_42] : memref<256x512xbf16, #tpu.memory_space<vmem>>, vector<256x512xbf16>
    %dot_general3A_44 = arith.constant dense<0.000000e+00> : vector<1024x256xf32>
    %dot_general3A_45 = tpu.matmul %convert_element_type3A_40, %get3A_43, %dot_general3A_44 {dimension_numbers = #tpu.dot_dimension_numbers<[1], [1], [0], [0], [0, 0, 1, 0], [], []>, transpose_lhs_hint = false} : vector<1024x512xbf16>, vector<256x512xbf16>, vector<1024x256xf32> -> vector<1024x256xf32>
    %get3A_46 = arith.constant 0 : index
    %get3A_47 = arith.constant 0 : index
    %get3A_48 = vector.load %arg9[%get3A_46, %get3A_47] : memref<1x256xf32, #tpu.memory_space<vmem>>, vector<1x256xf32>
    %get3A_49 = vector.shape_cast %get3A_48 : vector<1x256xf32> to vector<256xf32>
    %broadcast_in_dim3A_50 = vector.shape_cast %get3A_49 : vector<256xf32> to vector<1x256xf32>
    %add3A_51 = vector.broadcast %broadcast_in_dim3A_50 : vector<1x256xf32> to vector<1024x256xf32>
    %add3A_52 = arith.addf %dot_general3A_45, %add3A_51 : vector<1024x256xf32>
    %max3A_53 = arith.constant 0.000000e+00 : f32
    %max3A_54 = vector.broadcast %max3A_53 : f32 to vector<1024x256xf32>
    %max3A_55 = arith.maximumf %add3A_52, %max3A_54 : vector<1024x256xf32>
    %swap3A = arith.constant 0 : index
    %swap3A_56 = arith.constant 0 : index
    %swap3A_57 = vector.load %arg10[%swap3A, %swap3A_56] : memref<1024x256xf32, #tpu.memory_space<vmem>>, vector<1024x256xf32>
    tpu.vector_store %arg10[%swap3A, %swap3A_56], %max3A_55 {strides = array<i32>} : memref<1024x256xf32, #tpu.memory_space<vmem>>, vector<1024x256xf32>,
    return
  }
  func.func @transform_0(%arg0: i32) -> (i32, i32) {
    %c0_i32 = arith.constant 0 : i32
    %c0_i32_0 = arith.constant 0 : i32
    %c0_i32_1 = arith.constant 0 : i32
    return %c0_i32, %c0_i32_0 : i32, i32
  }
  func.func @transform_1(%arg0: i32) -> (i32, i32) {
    %c0_i32 = arith.constant 0 : i32
    %c0_i32_0 = arith.constant 0 : i32
    %c0_i32_1 = arith.constant 0 : i32
    return %c0_i32, %c0_i32_0 : i32, i32
  }
  func.func @transform_2(%arg0: i32) -> (i32, i32) {
    %c0_i32 = arith.constant 0 : i32
    %c0_i32_0 = arith.constant 0 : i32
    %c0_i32_1 = arith.constant 0 : i32
    return %c0_i32, %c0_i32_0 : i32, i32
  }
  func.func @transform_3(%arg0: i32) -> (i32, i32) {
    %c0_i32 = arith.constant 0 : i32
    %c0_i32_0 = arith.constant 0 : i32
    return %arg0, %c0_i32 : i32, i32
  }
  func.func @transform_4(%arg0: i32) -> (i32, i32) {
    %c0_i32 = arith.constant 0 : i32
    %c0_i32_0 = arith.constant 0 : i32
    %c0_i32_1 = arith.constant 0 : i32
    return %c0_i32, %c0_i32_0 : i32, i32
  }
  func.func @transform_5(%arg0: i32) -> (i32, i32) {
    %c0_i32 = arith.constant 0 : i32
    %c0_i32_0 = arith.constant 0 : i32
    %c0_i32_1 = arith.constant 0 : i32
    return %c0_i32, %c0_i32_0 : i32, i32
  }
  func.func @transform_6(%arg0: i32) -> (i32, i32) {
    %c0_i32 = arith.constant 0 : i32
    %c0_i32_0 = arith.constant 0 : i32
    %c0_i32_1 = arith.constant 0 : i32
    return %c0_i32, %c0_i32_0 : i32, i32
  }
  func.func @transform_7(%arg0: i32) -> (i32, i32) {
    %c0_i32 = arith.constant 0 : i32
    %c0_i32_0 = arith.constant 0 : i32
    %c0_i32_1 = arith.constant 0 : i32
    return %c0_i32, %c0_i32_0 : i32, i32
  }
  func.func @transform_8(%arg0: i32) -> (i32, i32) {
    %c0_i32 = arith.constant 0 : i32
    %c0_i32_0 = arith.constant 0 : i32
    %c0_i32_1 = arith.constant 0 : i32
    return %c0_i32, %c0_i32_0 : i32, i32
  }
  func.func @transform_9(%arg0: i32) -> (i32, i32) {
    %c0_i32 = arith.constant 0 : i32
    %c0_i32_0 = arith.constant 0 : i32
    return %arg0, %c0_i32 : i32, i32
  }
}

</mosaic_0001>

<sc_bundles>
// kernel: kernel.4.cloned.1.call-start
scs
__scs_entry_jumppad:
0x0: {  	(pc) =	sbr.rel $0x88, $3  }
0x1: {  	(tag) =	ssettag $0x0;
	lr =	simm.s32 $0x1  }
0x2: {  	[smem:$0x3F98] =	sst lr;
	_ =	strace $0xD0000000  }
0x3: {  	_ = 	snop  }
0x4: {  	_ = 	snop  }
0x5: {  	_ = 	snop  }
0x6: {  	_ = 	snop  }
0x7: {  	_ = 	snop  }
__scs_overlays_trampoline_lowered:
0x8: {  	[smem:$0x3FA7] =	sst s0  }
0x9: {  	[smem:$0x3FA8] =	sst s1  }
0xa: {  	[smem:$0x3FA9] =	sst s2  }
0xb: {  	[smem:$0x3FAA] =	sst s3  }
0xc: {  	[smem:$0x3FAB] =	sst s4  }
0xd: {  	[smem:$0x3FAC] =	sst s5  }
0xe: {  	[smem:$0x3FAD] =	sst s6  }
0xf: {  	[smem:$0x3FAE] =	sst s7  }
0x10: {  	[smem:$0x3FAF] =	sst s8  }
0x11: {  	[smem:$0x3FB0] =	sst s9;
	s0 =	simm.s32 @!p0 $0x0  }
0x12: {  	s1 =	sld [smem:$0x3F96];
	s0 =	simm.s32 @p0 $0x1  }
0x13: {  	[smem:$0x3FB1] =	sst s0;
	s0 =	simm.s32 @!p1 $0x0  }
0x14: {  	s2 =	sld [smem:$0x3F95];
	s0 =	simm.s32 @p1 $0x1  }
0x15: {  	[smem:$0x3FB2] =	sst s0;
	s0 =	simm.s32 @!p2 $0x0  }
0x16: {  	s3 =	sld [smem:$0x3FDB];
	s0 =	simm.s32 @p2 $0x1  }
0x17: {  	s4 =	simm.s32 $0x1BF5;
	[smem:$0x3FB4] =	sst s0  }
0x18: {  	s0 =	sld [smem:$0x3F97];
	_ =	swait.ge [sflag:s4], $0x0  }
0x19: {  	s7 =	sld [smem:$0x3F98]  }
0x1a: {  	s8 =	sadd.s32 $0xFFFFE003, lr  }
0x1b: {  	s9 =	sadd.s32 $0xFFFFFEF7, lr;
	s5 =	simm.s32 $0xFFFFFFFF;
	p2 =	slt.u32 s8, $0xFFFFF086  }
0x1c: {  	p1 =	slt.u32 s9, $0xF7A;
	s5 =	simm.s32 @!p2 $0x0  }
0x1d: {  	s5 =	simm.s32 @p1 $0x1;
	p0 =	seq.s32 s7, s2  }
0x1e: {  	s7 =	smul.u32 @!p0 $0xF7A, s2;
	p2 =	seq.s32 @!p0 s5, $0x0  }
0x1f: {  	s9 =	smul.u32 $0xF7A, s1;
	s8 =	simm.s32 @!p0 $0x1BF5;
	p2 =	por !p2, p0  }
0x20: {  	[sflag:s8] =	ssyncset.s32 @!p0 $0xFFFFF086;
	s6 =	sadd.s32 @!p0 s3, s7;
	s7 =	simm.s32 @!p0 $0x108  }
0x21: {  	s3 =	sadd.s32 s3, s9;
	s6 =	sadd.s32 @!p0 $0x88, s6;
	s7 =	simm.s32 @p2 $0x1082  }
0x22: {  	[simem:s7], [sflag:s8] =	dma.local @!p0 [hbm:s6], $0xF7A  }
0x23: {  	s9 =	sor.u32 $0xD0000000, s2;
	s6 =	simm.s32 $0x108;
	_ =	swait.ge @!p0 [sflag:s8], $0x0  }
0x24: {  	s3 =	sadd.s32 $0x88, s3;
	s6 =	simm.s32 @!p1 $0x1082;
	[sflag:s4] =	ssyncset.s32 $0xFFFFF086  }
0x25: {  	[simem:s6], [sflag:s4] =	dma.local [hbm:s3], $0xF7A  }
0x26: {  	[smem:$0x3F98] =	sst s1;
	(tag) =	ssettag s2;
	_ =	strace s9  }
0x27: {  	s1 =	sld [smem:$0x3FA8]  }
0x28: {  	s2 =	sld [smem:$0x3FA9]  }
0x29: {  	s4 =	sld [smem:$0x3FAB]  }
0x2a: {  	p0 =	seq.s32 s5, $0x0;
	s5 =	sld [smem:$0x3FAC]  }
0x2b: {  	s6 =	sld [smem:$0x3FAD]  }
0x2c: {  	s7 =	sld [smem:$0x3FAE]  }
0x2d: {  	s3 =	simm.s32 $0x108;
	s8 =	sld [smem:$0x3FAF]  }
0x2e: {  	s3 =	simm.s32 @!p0 $0x1082;
	s9 =	sld [smem:$0x3FB0]  }
0x2f: {  	lr =	sadd.s32 s0, s3;
	s0 =	sld [smem:$0x3FA7]  }
0x30: {  	s3 =	sld [smem:$0x3FAA]  }
0x31: {  	[smem:$0x3FB3] =	sst s10  }
0x32: {  	s10 =	sld [smem:$0x3FB1];
	_ =	sdelay $0x3  }
0x33: {  	p0 =	seq.s32 s10, $0x1;
	s10 =	sld [smem:$0x3FB3];
	_ =	sdelay $0x3  }
0x34: {  	[smem:$0x3FB3] =	sst s10  }
0x35: {  	s10 =	sld [smem:$0x3FB2];
	_ =	sdelay $0x3  }
0x36: {  	p1 =	seq.s32 s10, $0x1;
	s10 =	sld [smem:$0x3FB3];
	_ =	sdelay $0x3  }
0x37: {  	[smem:$0x3FB3] =	sst s10  }
0x38: {  	s10 =	sld [smem:$0x3FB4]  }
0x39: {  	_ = 	snop;
	(pc) =	sbr.ind lr, $3  }
0x3a: {  	_ = 	snop  }
0x3b: {  	_ = 	snop  }
0x3c: {  	p2 =	seq.s32 s10, $0x1;
	s10 =	sld [smem:$0x3FB3]  }
0x3d: {  	_ =	shalt  }
0x3e: {  	_ =	shalt  }
0x3f: {  	_ =	shalt  }
0x40: {  	_ =	shalt  }
0x41: {  	_ =	shalt  }
0x42: {  	_ =	shalt  }
0x43: {  	_ =	shalt  }
0x44: {  	_ =	shalt  }
0x45: {  	_ =	shalt  }
0x46: {  	_ =	shalt  }
0x47: {  	_ =	shalt  }
0x48: {  	_ =	shalt  }
0x49: {  	_ =	shalt  }
0x4a: {  	_ =	shalt  }
0x4b: {  	_ =	shalt  }
0x4c: {  	_ =	shalt  }
0x4d: {  	_ =	shalt  }
0x4e: {  	_ =	shalt  }
0x4f: {  	_ =	shalt  }
0x50: {  	_ =	shalt  }
0x51: {  	_ =	shalt  }
0x52: {  	_ =	shalt  }
0x53: {  	_ =	shalt  }
0x54: {  	_ =	shalt  }
0x55: {  	_ =	shalt  }
0x56: {  	_ =	shalt  }
0x57: {  	_ =	shalt  }
0x58: {  	_ =	shalt  }
0x59: {  	_ =	shalt  }
0x5a: {  	_ =	shalt  }
0x5b: {  	_ =	shalt  }
0x5c: {  	_ =	shalt  }
0x5d: {  	_ =	shalt  }
0x5e: {  	_ =	shalt  }
0x5f: {  	_ =	shalt  }
0x60: {  	_ =	shalt  }
0x61: {  	_ =	shalt  }
0x62: {  	_ =	shalt  }
0x63: {  	_ =	shalt  }
0x64: {  	_ =	shalt  }
0x65: {  	_ =	shalt  }
0x66: {  	_ =	shalt  }
0x67: {  	_ =	shalt  }
0x68: {  	_ =	shalt  }
0x69: {  	_ =	shalt  }
0x6a: {  	_ =	shalt  }
0x6b: {  	_ =	shalt  }
0x6c: {  	_ =	shalt  }
0x6d: {  	_ =	shalt  }
0x6e: {  	_ =	shalt  }
0x6f: {  	_ =	shalt  }
0x70: {  	_ =	shalt  }
0x71: {  	_ =	shalt  }
0x72: {  	_ =	shalt  }
0x73: {  	_ =	shalt  }
0x74: {  	_ =	shalt  }
0x75: {  	_ =	shalt  }
0x76: {  	_ =	shalt  }
0x77: {  	_ =	shalt  }
0x78: {  	_ =	shalt  }
0x79: {  	_ =	shalt  }
0x7a: {  	_ =	shalt  }
0x7b: {  	_ =	shalt  }
0x7c: {  	_ =	shalt  }
0x7d: {  	_ =	shalt  }
0x7e: {  	_ =	shalt  }
0x7f: {  	_ =	shalt  }
0x80: {  	_ =	shalt  }
0x81: {  	_ =	shalt  }
0x82: {  	_ =	shalt  }
0x83: {  	_ =	shalt  }
0x84: {  	_ =	shalt  }
0x85: {  	_ =	shalt  }
0x86: {  	_ =	shalt  }
0x87: {  	_ =	shalt  }
.Lfunc_end0:
.L_simem_size_0:
called_computation_lowered:
.L_overlay_start_0:
0x88: {  	s2 =	sld [smem:$0x3FD9]  }
0x89: {  	s3 =	sld [smem:$0x3FFE];
	_ =	sdelay $0x1  }
0x8a: {  	s1 =	srdreg.scid  }
0x8b: {  	s0 =	sand.u32 $0x1, s1  }
0x8c: {  	s17 =	sshll.u32 s0, $0xA;
	s2 =	sadd.s32 s3, s2  }
0x8d: {  	s2 =	sadd.s32 s2, s17  }
0x8e: {  	[smem:$0x3FBF] =	sst s2  }
0x8f: {  	_ = 	snop  }
0x90: {  	s2 =	sld [smem:$0x3FD0];
	(tm) =	ssettm $0x1  }
0x91: {  	s18 =	sld [smem:$0x3FFB];
	_ =	sdelay $0x3  }
0x92: {  	_ =	strace s18  }
0x93: {  	s3 =	sld [smem:$0x3FFC];
	_ =	sdelay $0x3  }
0x94: {  	_ =	strace s3  }
0x95: {  	s3 =	sld [smem:$0x3FFD];
	_ =	sdelay $0x3  }
0x96: {  	_ =	strace s3  }
0x97: {  	_ =	strace $0x8FFFFFFF  }
0x98: {  	s19 =	sld [smem:$0x3FDB];
	_ =	sdelay $0x1  }
0x99: {  	s4 =	simm.s32 $_scs_section_size  }
0x9a: {  	s5 =	simm.s32 $_size__tile_overlayer_lowered;
	s6 =	simm.s32 $_tile_overlayer_lowered  }
0x9b: {  	s22 =	simm.s32 $0x1BFF;
	s21 =	sshll.u32 s6, $0x1;
	s3 =	sadd.s32 s4, s19  }
0x9c: {  	s7 =	simm.s32 $0x0;
	s20 =	sshll.u32 s5, $0x1;
	s5 =	sadd.s32 s21, s3  }
0x9d: {  	[timem:s7], [sflag:s22] =	dma.local [hbm:s5], s20  }
0x9e: {  	_ =	swait.ge [sflag:s22], s20  }
0x9f: {  	s4 =	ssub.s32 $0x0, s20;
	[sflag:s22] =	ssyncset.done $0x0  }
0xa0: {  	[sflag:s22] =	ssyncadd.s32 s4;
	_ =	sdelay $0x1  }
0xa1: {  	s23 =	simm.s32 $0x1B8B  }
0xa2: {  	_ =	swait.ge [sflag:s23], $0x1  }
0xa3: {  	[sflag:s23] =	ssyncset.done $0x0  }
0xa4: {  	s25 =	simm.s32 $0x1B8E;
	s24 =	sld [smem:$0x3FFE];
	[sflag:s23] =	ssyncadd.s32 $0xFFFFFFFF  }
0xa5: {  	s26 =	simm.s32 $execute0_lowered;
	[smem:$0x3FD2] =	sst s25  }
0xa6: {  	s5 =	sshll.u32 s26, $0x1;
	_ =	strace $0x80000046;
	[dreg:$0x1] =	wrdreg $0xFFFFFFFF  }
0xa7: {  	s28 =	simm.s32 $_size_execute0_lowered;
	s3 =	sadd.s32 s3, s5;
	[dreg:$0x0] =	wrdreg $0x0  }
0xa8: {  	s5 =	sshll.u32 s28, $0x1;
	[dreg:$0x2] =	wrdreg s3  }
0xa9: {  	[dreg:$0x3] =	wrdreg s5  }
0xaa: {  	[dreg:$0x4] =	wrdreg $0xC0  }
0xab: {  	_ =	task [dreg:s7], $0x5FFFF  }
0xac: {  	[dreg:$0x1] =	wrdreg $0xFFFFFFFF  }
0xad: {  	[dreg:$0x0] =	wrdreg $0x60  }
0xae: {  	[dreg:$0x2] =	wrdreg s24  }
0xaf: {  	[dreg:$0x3] =	wrdreg s2  }
0xb0: {  	[dreg:$0x4] =	wrdreg $0x9  }
0xb1: {  	_ =	task.clear_ibuf [dreg:s7], $0x5FFFF;
	_ =	strace $0x90000046  }
0xb2: {  	s29 =	simm.s32 $0x9;
	_ =	strace $0x80000048  }
0xb3: {  	_ =	swait.ge [sflag:s29], $0x1  }
0xb4: {  	[sflag:s29] =	ssyncadd.s32 $0xFFFFFFFF  }
0xb5: {  	_ =	strace $0x90000048  }
0xb6: {  	_ =	sfence  }
0xb7: {  	s30 =	sld [smem:$0x0];
	_ =	sdelay $0x2  }
0xb8: {  	s31 =	sshll.u32 s1, $0xD;
	s1 =	sshrl.u32 s1, $0x2  }
0xb9: {  	s3 =	sand.u32 $0x4000, s31;
	s1 =	sadd.s32 s1, s30  }
0xba: {  	s0 =	sor.u32 s3, s0;
	s1 =	sshll.u32 s1, $0x11  }
0xbb: {  	s0 =	sor.u32 s1, s0  }
0xbc: {  	s0 =	sadd.s32 $0x8F2B, s0  }
0xbd: {  	[sflag:s0] =	ssyncadd.remote.s32 $0x1  }
0xbe: {  	_ =	sfence.sel $0xFFFF  }
0xbf: {  	[dreg:$0x0] =	wrdreg $0xFFFFFFFF;
	(pc) =	sbr.abs _section_cstart, $3  }
0xc0: {  	[dreg:$0x1] =	wrdreg $0xFFFFFFFF  }
0xc1: {  	_ =	task.clear_ibuf [dreg:s7], $0x2FFFF;
	_ =	strace $0x9FFFFFFF  }
0xc2: {  	(tm) =	ssettm $0x7FFFFFFF  }
0xc3: {  	_ =	shalt  }
tec
execute0_lowered:
.L_overlay_start_1:
0x0: {  	(tag) =	ssettag $0x1  }
0x1: {  	s4 =	rddreg [dreg:$0x0]  }
0x2: {  	s5 =	rddreg [dreg:$0x1];
	s1 =	stileid.u32  }
0x3: {  	s2 =	srdreg.scid;
	s0 =	rddreg [dreg:$0x2];
	s10 =	simm.s32 $0x4600  }
0x4: {  	s11 =	simm.s32 $0x5400;
	s12 =	simm.s32 $0x6200;
	s13 =	simm.s32 $0x7000  }
0x5: {  	s14 =	simm.s32 $0x7E00;
	s15 =	simm.s32 $0x8C00;
	s16 =	simm.s32 $0x9A00  }
0x6: {  	s17 =	simm.s32 $0x1;
	s18 =	simm.s32 $0x0;
	s3 =	sand.u32 $0x1, s2  }
0x7: {  	s6 =	sshll.u32 s1, $0x1;
	s2 =	simm.s32 $0x0;
	s7 =	smul.u32 $0x1C000, s1  }
0x8: {  	s6 =	sor.u32 s3, s6;
	[smem:$0x7FF] =	sst s2;
	s9 =	smul.u32 $0xE000, s3  }
0x9: {  	s8 =	ssub.s32 $0x2, s3;
	s3 =	sadd.s32 $0x27ADC00, s4;
	s6 =	smul.u32 $0x3800, s6  }
0xa: {  	_ =	strace $0x80000047;
	s4 =	sadd.s32 s7, s4;
	s30 =	sshrl.u32 s8, $0x1  }
0xb: {  	s7 =	ssub.s32 s8, s30;
	s31 =	sadd.s32 s9, s4;
	s6 =	sshrl.u32 s6, $0x3  }
0xc: {  	s8 =	simm.s32 $0x70;
	s9 =	simm.s32 $0x3800;
	s4 =	sadd.s32 s5, s6  }
0xd: {  	s5 =	smax.u32 s7, $0x1;
	s6 =	sadd.s32 $0x1800, s31;
	s7 =	simm.s32 $0x2  }
.LBB2_1:
0xe: {  	[tilespmem:s2], [sflag:$0x2] =	stream.linear.gather [hbm4b:s4+s2], $0x3800, $0x38;
	[tilespmem:$0xA800] =	vst v63  }
0xf: {  	_ =	swait.ge [sflag:s7], $0x3800  }
0x10: {  	[sflag:s7] =	ssyncset.done $0x0  }
0x11: {  	s19 =	simm.s32 $0x0;
	[sflag:s7] =	ssyncadd.s32 $0xFFFFC800  }
0x12: {  	[tilespmem:s9], [sflag:$0x1] =	stream.indirect.gather [hbm4b:s3+s8], $0x20, s19, s8, $0xb8;
	[tilespmem:$0xA800] =	vst v63  }
0x13: {  	s23 =	simm.s32 $0x70  }
0x14: {  	[tilespmem:s10], [sflag:$0x1] =	stream.indirect.gather [hbm4b:s3+s8], $0x20, s23, s8, $0xb8;
	[tilespmem:$0xA800] =	vst v63  }
0x15: {  	s24 =	simm.s32 $0xE0  }
0x16: {  	[tilespmem:s11], [sflag:$0x1] =	stream.indirect.gather [hbm4b:s3+s8], $0x20, s24, s8, $0xb8;
	[tilespmem:$0xA800] =	vst v63  }
0x17: {  	s25 =	simm.s32 $0x150  }
0x18: {  	[tilespmem:s12], [sflag:$0x1] =	stream.indirect.gather [hbm4b:s3+s8], $0x20, s25, s8, $0xb8;
	[tilespmem:$0xA800] =	vst v63  }
0x19: {  	s26 =	simm.s32 $0x1C0  }
0x1a: {  	[tilespmem:s13], [sflag:$0x1] =	stream.indirect.gather [hbm4b:s3+s8], $0x20, s26, s8, $0xb8;
	[tilespmem:$0xA800] =	vst v63  }
0x1b: {  	s28 =	simm.s32 $0x230  }
0x1c: {  	[tilespmem:s14], [sflag:$0x1] =	stream.indirect.gather [hbm4b:s3+s8], $0x20, s28, s8, $0xb8;
	[tilespmem:$0xA800] =	vst v63  }
0x1d: {  	s29 =	simm.s32 $0x2A0  }
0x1e: {  	[tilespmem:s15], [sflag:$0x1] =	stream.indirect.gather [hbm4b:s3+s8], $0x20, s29, s8, $0xb8;
	[tilespmem:$0xA800] =	vst v63  }
0x1f: {  	s30 =	simm.s32 $0x310  }
0x20: {  	[tilespmem:s16], [sflag:$0x1] =	stream.indirect.gather [hbm4b:s3+s8], $0x20, s30, s8, $0xb8;
	[tilespmem:$0xA800] =	vst v63  }
0x21: {  	_ =	swait.ge [sflag:s17], $0xE00  }
0x22: {  	[sflag:s17] =	ssyncset.done $0x0  }
0x23: {  	[sflag:s17] =	ssyncadd.s32 $0xFFFFF200  }
0x24: {  	_ =	swait.ge [sflag:s17], $0xE00  }
0x25: {  	[sflag:s17] =	ssyncset.done $0x0  }
0x26: {  	[sflag:s17] =	ssyncadd.s32 $0xFFFFF200  }
0x27: {  	_ =	swait.ge [sflag:s17], $0xE00  }
0x28: {  	[sflag:s17] =	ssyncset.done $0x0  }
0x29: {  	[sflag:s17] =	ssyncadd.s32 $0xFFFFF200  }
0x2a: {  	_ =	swait.ge [sflag:s17], $0xE00  }
0x2b: {  	[sflag:s17] =	ssyncset.done $0x0  }
0x2c: {  	[sflag:s17] =	ssyncadd.s32 $0xFFFFF200  }
0x2d: {  	_ =	swait.ge [sflag:s17], $0xE00  }
0x2e: {  	[sflag:s17] =	ssyncset.done $0x0  }
0x2f: {  	[sflag:s17] =	ssyncadd.s32 $0xFFFFF200  }
0x30: {  	_ =	swait.ge [sflag:s17], $0xE00  }
0x31: {  	[sflag:s17] =	ssyncset.done $0x0  }
0x32: {  	[sflag:s17] =	ssyncadd.s32 $0xFFFFF200  }
0x33: {  	_ =	swait.ge [sflag:s17], $0xE00  }
0x34: {  	[sflag:s17] =	ssyncset.done $0x0  }
0x35: {  	[sflag:s17] =	ssyncadd.s32 $0xFFFFF200  }
0x36: {  	_ =	swait.ge [sflag:s17], $0xE00  }
0x37: {  	[sflag:s17] =	ssyncset.done $0x0  }
0x38: {  	s31 =	sadd.s32 $0x0, s6;
	[sflag:s17] =	ssyncadd.s32 $0xFFFFF200  }
0x39: {  	[hbm4b:s31+s2] =	stream.linear.scatter [tilespmem:s9], [sflag:$0x2], $0x7000, $0x38;
	[tilespmem:$0xA800] =	vst v63  }
0x3a: {  	_ =	swait.ge [sflag:s7], $0x7000  }
0x3b: {  	s22 =	simm.s32 $0x1C00;
	s19 =	simm.s32 $0xE00;
	[sflag:s7] =	ssyncset.done $0x0  }
.LBB2_2:
0x3c: {  	s23 =	sshra.s32 s19, $0x2  }
0x3d: {  	[sflag:s7] =	ssyncadd.s32 $0xFFFF9000;
	s21 =	smov.u32 s22;
	s20 =	sadd.s32 $0xE00, s22  }
0x3e: {  	[tilespmem:s9], [sflag:$0x1] =	stream.indirect.gather [hbm4b:s3+s8], $0x20, s23, s8, $0xb8;
	[tilespmem:$0xA800] =	vst v63  }
0x3f: {  	p0 =	sne.s32 s22, $0xD200;
	s22 =	sadd.s32 $0x70, s23  }
0x40: {  	[tilespmem:s10], [sflag:$0x1] =	stream.indirect.gather [hbm4b:s3+s8], $0x20, s22, s8, $0xb8;
	[tilespmem:$0xA800] =	vst v63  }
0x41: {  	s22 =	sadd.s32 $0xE0, s23  }
0x42: {  	[tilespmem:s11], [sflag:$0x1] =	stream.indirect.gather [hbm4b:s3+s8], $0x20, s22, s8, $0xb8;
	[tilespmem:$0xA800] =	vst v63  }
0x43: {  	s22 =	sadd.s32 $0x150, s23  }
0x44: {  	[tilespmem:s12], [sflag:$0x1] =	stream.indirect.gather [hbm4b:s3+s8], $0x20, s22, s8, $0xb8;
	[tilespmem:$0xA800] =	vst v63  }
0x45: {  	s22 =	sadd.s32 $0x1C0, s23  }
0x46: {  	[tilespmem:s13], [sflag:$0x1] =	stream.indirect.gather [hbm4b:s3+s8], $0x20, s22, s8, $0xb8;
	[tilespmem:$0xA800] =	vst v63  }
0x47: {  	s22 =	sadd.s32 $0x230, s23  }
0x48: {  	[tilespmem:s14], [sflag:$0x1] =	stream.indirect.gather [hbm4b:s3+s8], $0x20, s22, s8, $0xb8;
	[tilespmem:$0xA800] =	vst v63  }
0x49: {  	s22 =	sadd.s32 $0x2A0, s23  }
0x4a: {  	[tilespmem:s15], [sflag:$0x1] =	stream.indirect.gather [hbm4b:s3+s8], $0x20, s22, s8, $0xb8;
	[tilespmem:$0xA800] =	vst v63  }
0x4b: {  	s22 =	sadd.s32 $0x310, s23  }
0x4c: {  	[tilespmem:s16], [sflag:$0x1] =	stream.indirect.gather [hbm4b:s3+s8], $0x20, s22, s8, $0xb8;
	[tilespmem:$0xA800] =	vst v63  }
0x4d: {  	_ =	swait.ge [sflag:s17], $0xE00  }
0x4e: {  	[sflag:s17] =	ssyncset.done $0x0  }
0x4f: {  	[sflag:s17] =	ssyncadd.s32 $0xFFFFF200  }
0x50: {  	_ =	swait.ge [sflag:s17], $0xE00  }
0x51: {  	[sflag:s17] =	ssyncset.done $0x0  }
0x52: {  	[sflag:s17] =	ssyncadd.s32 $0xFFFFF200  }
0x53: {  	_ =	swait.ge [sflag:s17], $0xE00  }
0x54: {  	[sflag:s17] =	ssyncset.done $0x0  }
0x55: {  	[sflag:s17] =	ssyncadd.s32 $0xFFFFF200  }
0x56: {  	_ =	swait.ge [sflag:s17], $0xE00  }
0x57: {  	[sflag:s17] =	ssyncset.done $0x0  }
0x58: {  	[sflag:s17] =	ssyncadd.s32 $0xFFFFF200  }
0x59: {  	_ =	swait.ge [sflag:s17], $0xE00  }
0x5a: {  	[sflag:s17] =	ssyncset.done $0x0  }
0x5b: {  	[sflag:s17] =	ssyncadd.s32 $0xFFFFF200  }
0x5c: {  	_ =	swait.ge [sflag:s17], $0xE00  }
0x5d: {  	[sflag:s17] =	ssyncset.done $0x0  }
0x5e: {  	[sflag:s17] =	ssyncadd.s32 $0xFFFFF200  }
0x5f: {  	_ =	swait.ge [sflag:s17], $0xE00  }
0x60: {  	[sflag:s17] =	ssyncset.done $0x0  }
0x61: {  	[sflag:s17] =	ssyncadd.s32 $0xFFFFF200  }
0x62: {  	_ =	swait.ge [sflag:s17], $0xE00  }
.Ltmp0:
0x63: {  	[sflag:s17] =	ssyncset.done $0x0;
	(pc) =	sbr.rel @p0 .LBB2_2-.Ltmp0, $4  }
0x64: {  	s22 =	sadd.s32 s19, s6;
	s19 =	smov.u32 s21;
	[sflag:s17] =	ssyncadd.s32 $0xFFFFF200  }
0x65: {  	[hbm4b:s22+s2] =	stream.linear.scatter [tilespmem:s9], [sflag:$0x2], $0x7000, $0x38;
	[tilespmem:$0xA800] =	vst v63  }
0x66: {  	_ =	swait.ge [sflag:s7], $0x7000  }
0x67: {  	s22 =	smov.u32 s20;
	[sflag:s7] =	ssyncset.done $0x0  }
0x68: {  	s20 =	sshra.s32 s19, $0x2;
	[sflag:s7] =	ssyncadd.s32 $0xFFFF9000  }
0x69: {  	[tilespmem:s9], [sflag:$0x1] =	stream.indirect.gather [hbm4b:s3+s8], $0x20, s20, s8, $0xb8;
	[tilespmem:$0xA800] =	vst v63  }
0x6a: {  	s21 =	sadd.s32 $0x70, s20  }
0x6b: {  	[tilespmem:s10], [sflag:$0x1] =	stream.indirect.gather [hbm4b:s3+s8], $0x20, s21, s8, $0xb8;
	[tilespmem:$0xA800] =	vst v63  }
0x6c: {  	s25 =	sadd.s32 $0xE0, s20  }
0x6d: {  	[tilespmem:s11], [sflag:$0x1] =	stream.indirect.gather [hbm4b:s3+s8], $0x20, s25, s8, $0xb8;
	[tilespmem:$0xA800] =	vst v63  }
0x6e: {  	s26 =	sadd.s32 $0x150, s20  }
0x6f: {  	[tilespmem:s12], [sflag:$0x1] =	stream.indirect.gather [hbm4b:s3+s8], $0x20, s26, s8, $0xb8;
	[tilespmem:$0xA800] =	vst v63  }
0x70: {  	s28 =	sadd.s32 $0x1C0, s20  }
0x71: {  	[tilespmem:s13], [sflag:$0x1] =	stream.indirect.gather [hbm4b:s3+s8], $0x20, s28, s8, $0xb8;
	[tilespmem:$0xA800] =	vst v63  }
0x72: {  	s29 =	sadd.s32 $0x230, s20  }
0x73: {  	[tilespmem:s14], [sflag:$0x1] =	stream.indirect.gather [hbm4b:s3+s8], $0x20, s29, s8, $0xb8;
	[tilespmem:$0xA800] =	vst v63  }
0x74: {  	s30 =	sadd.s32 $0x2A0, s20  }
0x75: {  	[tilespmem:s15], [sflag:$0x1] =	stream.indirect.gather [hbm4b:s3+s8], $0x20, s30, s8, $0xb8;
	[tilespmem:$0xA800] =	vst v63  }
0x76: {  	s20 =	sadd.s32 $0x310, s20  }
0x77: {  	[tilespmem:s16], [sflag:$0x1] =	stream.indirect.gather [hbm4b:s3+s8], $0x20, s20, s8, $0xb8;
	[tilespmem:$0xA800] =	vst v63  }
0x78: {  	_ =	swait.ge [sflag:s17], $0xE00  }
0x79: {  	[sflag:s17] =	ssyncset.done $0x0  }
0x7a: {  	[sflag:s17] =	ssyncadd.s32 $0xFFFFF200  }
0x7b: {  	_ =	swait.ge [sflag:s17], $0xE00  }
0x7c: {  	[sflag:s17] =	ssyncset.done $0x0  }
0x7d: {  	[sflag:s17] =	ssyncadd.s32 $0xFFFFF200  }
0x7e: {  	_ =	swait.ge [sflag:s17], $0xE00  }
0x7f: {  	[sflag:s17] =	ssyncset.done $0x0  }
0x80: {  	[sflag:s17] =	ssyncadd.s32 $0xFFFFF200  }
0x81: {  	_ =	swait.ge [sflag:s17], $0xE00  }
0x82: {  	[sflag:s17] =	ssyncset.done $0x0  }
0x83: {  	[sflag:s17] =	ssyncadd.s32 $0xFFFFF200  }
0x84: {  	_ =	swait.ge [sflag:s17], $0xE00  }
0x85: {  	[sflag:s17] =	ssyncset.done $0x0  }
0x86: {  	[sflag:s17] =	ssyncadd.s32 $0xFFFFF200  }
0x87: {  	_ =	swait.ge [sflag:s17], $0xE00  }
0x88: {  	[sflag:s17] =	ssyncset.done $0x0  }
0x89: {  	[sflag:s17] =	ssyncadd.s32 $0xFFFFF200  }
0x8a: {  	_ =	swait.ge [sflag:s17], $0xE00  }
0x8b: {  	[sflag:s17] =	ssyncset.done $0x0  }
0x8c: {  	[sflag:s17] =	ssyncadd.s32 $0xFFFFF200  }
0x8d: {  	s18 =	sadd.s32 $0x1, s18;
	_ =	swait.ge [sflag:s17], $0xE00  }
0x8e: {  	p0 =	sne.s32 s18, s5;
	[sflag:s17] =	ssyncset.done $0x0  }
.Ltmp1:
0x8f: {  	s31 =	sadd.s32 s19, s6;
	[sflag:s17] =	ssyncadd.s32 $0xFFFFF200;
	(pc) =	sbr.rel @p0 .LBB2_1-.Ltmp1, $4  }
0x90: {  	[hbm4b:s31+s2] =	stream.linear.scatter [tilespmem:s9], [sflag:$0x2], $0x7000, $0x38;
	[tilespmem:$0xA800] =	vst v63  }
0x91: {  	_ =	swait.ge [sflag:s7], $0x7000  }
0x92: {  	[sflag:s7] =	ssyncset.done $0x0  }
0x93: {  	[sflag:s7] =	ssyncadd.s32 $0xFFFF9000  }
0x94: {  	_ =	sfence.sel $0x180000  }
0x95: {  	[bflag:$0x0] =	sbarrier.arrive $0xFFFF  }
0x96: {  	p0 =	sne.s32 s1, $0x0;
	_ =	strace $0x90000047  }
0x97: {  	s0 =	sadd.s32 @!p0 $0x100000, s0;
	[bflag:$0x2] =	sbarrier.arrive $0xFFFF  }
0x98: {  	[sflag:s0] =	ssyncadd.tile.s32 @!p0 $0x1;
	_ =	shalt  }
.Lfunc_end2:
_tile_overlayer_lowered:
.L_overlay_start_2:
0x99: {  	(tag) =	ssettag $0x2  }
0x9a: {  	s0 =	rddreg [dreg:$0x0];
	s2 =	stileid.u32  }
0x9b: {  	s1 =	rddreg [dreg:$0x1];
	p0 =	sne.s32 s2, $0x0  }
0x9c: {  	s3 =	rddreg [dreg:$0x2];
	[bflag:$0x3] =	sbarrier.arrive $0xFFFF;
	s2 =	simm.s32 @!p0 $0x1C02  }
0x9d: {  	[timem:s3], [sflag:s2] =	dma.local @!p0 [hbm:s0], s1  }
0x9e: {  	s0 =	simm.s32 @!p0 $0x2  }
0x9f: {  	_ =	swait.ge @!p0 [sflag:s0], s1  }
0xa0: {  	s1 =	ssub.s32 @!p0 $0x0, s1;
	[sflag:s0] =	ssyncset.done @!p0 $0x0  }
0xa1: {  	[sflag:s0] =	ssyncadd.s32 @!p0 s1  }
0xa2: {  	[bflag:$0x3] =	sbarrier.arrive $0xFFFF  }
0xa3: {  	_ =	shalt  }

</sc_bundles>
